<compile_context>
chip_gen: v7x
topology: tpu7x:2x2x1
jax: 0.10.2.dev20260603
libtpu: 0.0.44.dev20260713+nightly
codegen_flags: <defaults>
</compile_context>

<pallas_src>
import functools

import jax
import jax.numpy as jnp
from jax import lax
from jax.experimental import pallas as pl
from jax.experimental.pallas import tpu as pltpu
from jax.experimental.pallas import tpu_sc as plsc

_BT = 2048
_CT = 2048


def _argmin_body(x_ref, cbt_ref, x2_ref, c2_ref, idx_ref):
    xb = x_ref[...].astype(jnp.bfloat16)
    x2 = x2_ref[...]
    K = cbt_ref.shape[1]
    BT = xb.shape[0]

    def step(t, carry):
        rmin, rarg = carry
        ct = cbt_ref[:, pl.ds(t * _CT, _CT)].astype(jnp.bfloat16)
        c2 = c2_ref[:, pl.ds(t * _CT, _CT)]
        mm = lax.dot_general(xb, ct, (((1,), (0,)), ((), ())),
                             preferred_element_type=jnp.float32)
        s = (x2 + c2) - 2.0 * mm
        tmin = jnp.min(s, axis=1, keepdims=True)
        ids = lax.broadcasted_iota(jnp.int32, s.shape, 1)
        targ = jnp.min(jnp.where(s == tmin, ids, K), axis=1,
                       keepdims=True) + t * _CT
        rv = rmin.astype(jnp.bfloat16).astype(jnp.float32)
        better = tmin < rv
        return (jnp.where(better, tmin, rv),
                jnp.where(better, targ, rarg))

    rmin0 = jnp.full((BT, 1), jnp.inf, dtype=jnp.float32)
    rarg0 = jnp.zeros((BT, 1), dtype=jnp.int32)
    _, rarg = lax.fori_loop(0, K // _CT, step, (rmin0, rarg0))
    idx_ref[0] = rarg


def _tc_argmin(xf, cbt, x2, c2):
    N, D = xf.shape
    K = cbt.shape[1]
    nb = N // _BT
    out = pl.pallas_call(
        _argmin_body,
        grid=(nb,),
        in_specs=[
            pl.BlockSpec((_BT, D), lambda i: (i, 0)),
            pl.BlockSpec((D, K), lambda i: (0, 0)),
            pl.BlockSpec((_BT, 1), lambda i: (i, 0)),
            pl.BlockSpec((1, K), lambda i: (0, 0)),
        ],
        out_specs=pl.BlockSpec((1, _BT, 1), lambda i: (i, 0, 0)),
        out_shape=jax.ShapeDtypeStruct((nb, _BT, 1), jnp.int32),
    )(xf, cbt, x2, c2)
    return out.reshape(N)


_GC = 128


def _sc_gather_loss(cb, idx, xflat):
    K, D = cb.shape
    N = idx.shape[0]
    info = plsc.get_sparse_core_info()
    NC, NS = info.num_cores, info.num_subcores
    NW = NC * NS
    bpw = N // NW
    nch = bpw // _GC
    idx3 = idx.reshape(NW, nch, _GC)
    mesh = plsc.VectorSubcoreMesh(core_axis_name="c", subcore_axis_name="s")

    @functools.partial(
        pl.kernel,
        mesh=mesh,
        compiler_params=pltpu.CompilerParams(use_tc_tiling_on_sc=False),
        out_type=[
            jax.ShapeDtypeStruct((N, D), jnp.float32),
            jax.ShapeDtypeStruct((NW, 16), jnp.float32),
        ],
        scratch_types=[
            pltpu.VMEM((nch, _GC), jnp.int32),
            pltpu.VMEM((bpw, D), jnp.float32),
            pltpu.VMEM((bpw, D), jnp.float32),
            pltpu.VMEM((16,), jnp.float32),
            pltpu.SemaphoreType.DMA,
        ],
    )
    def sck(cb_hbm, idx_hbm, x_hbm, q_hbm, part_hbm,
            idx_v, rows_v, x_v, acc_v, sem):
        wid = lax.axis_index("s") * NC + lax.axis_index("c")
        base = wid * bpw
        pltpu.sync_copy(idx_hbm.at[wid], idx_v)
        pltpu.sync_copy(x_hbm.at[pl.ds(base, bpw)], x_v)
        handles = [
            pltpu.async_copy(cb_hbm.at[idx_v.at[k]],
                             rows_v.at[pl.ds(k * _GC, _GC)], sem)
            for k in range(nch)
        ]
        for h in handles:
            h.wait()
        pltpu.sync_copy(rows_v, q_hbm.at[pl.ds(base, bpw)])

        def lbody(i, acc):
            for j in range(D // 16):
                dv = rows_v[i, 16 * j:16 * (j + 1)] - x_v[i, 16 * j:16 * (j + 1)]
                acc = acc + dv * dv
            return acc

        acc = lax.fori_loop(0, bpw, lbody, jnp.zeros((16,), jnp.float32))
        acc_v[...] = acc
        pltpu.sync_copy(acc_v, part_hbm.at[wid])

    return sck(cb, idx3, xflat)


def kernel(x, hidden_dim, codebook):
    B, S, D = x.shape
    N = B * S
    flat = x.reshape(N, D)
    x2 = jnp.sum(flat ** 2, axis=1, keepdims=True)
    c2 = jnp.sum(codebook ** 2, axis=1)
    cbt, x2b, c2b = jax.lax.optimization_barrier(
        (codebook.T, x2, c2[None, :]))
    idx = _tc_argmin(flat, cbt, x2b, c2b)
    q_flat, parts = _sc_gather_loss(codebook, idx, flat)
    quantized = q_flat.reshape(x.shape)
    total = jnp.sum(parts) * (1.25 / (N * D))
    dim_ok = hidden_dim == codebook.shape[1]
    quantized = jnp.where(dim_ok, quantized, jnp.nan)
    total = jnp.where(dim_ok, total, jnp.nan)
    return quantized, total

# --- scband reference (transcript-rebuilt; emitter-appended) ---
"""Pipeline reference for scband-vector-quantizer-66443144069606 (READ-ONLY COPY).

The authoritative reference and input builder live on the scoring server;
editing this copy changes nothing except your own understanding.
"""

import jax, jax.numpy as jnp
import numpy as np


def setup_inputs(seed: int = 0) -> dict:
    key = jax.random.key(seed)
    k1, k2 = jax.random.split(key)
    x = jax.random.normal(k1, (8, 1024, 32), dtype=jnp.float32)
    codebook = jax.random.normal(k2, (8192, 32), dtype=jnp.float32)
    return {"x": x, "hidden_dim": 32, "codebook": codebook}


def reference(x, hidden_dim, codebook):
    batch_size, seq_length, d = x.shape
    dim_ok = hidden_dim == codebook.shape[1]
    flat_input = x.reshape(-1, d)
    distances = (
        jnp.sum(flat_input ** 2, axis=1, keepdims=True)
        + jnp.sum(codebook ** 2, axis=1)
        - 2.0 * jnp.matmul(flat_input, codebook.T)
    )
    encoding_indices = jnp.argmin(distances, axis=1)
    quantized = jnp.take(codebook, encoding_indices, axis=0).reshape(x.shape)
    codebook_cost = 1.0
    commitment_cost = 0.25
    codebook_loss = jnp.mean((quantized - jax.lax.stop_gradient(x)) ** 2)
    commitment_loss = jnp.mean((jax.lax.stop_gradient(quantized) - x) ** 2)
    total_loss = codebook_cost * codebook_loss + commitment_cost * commitment_loss
    quantized = x + jax.lax.stop_gradient(quantized - x)
    quantized = jnp.where(dim_ok, quantized, jnp.nan)
    total_loss = jnp.where(dim_ok, total_loss, jnp.nan)
    return (quantized, total_loss)

if __name__ == "__main__":
    import jax
    _d = setup_inputs()
    print(jax.jit(kernel)(*tuple(_d.values())))

</pallas_src>

<mosaic_0001>
#map = affine_map<(d0, d1) -> (0, 0)>
#map1 = affine_map<(d0, d1) -> (0, 0, 0)>
module attributes {stable_mosaic.version = 14 : i64} {
  func.func @sck(%arg0: i32, %arg1: i32, %arg2: memref<8192x32xf32, #tpu.memory_space<hbm>>, %arg3: memref<32x2x128xi32, #tpu.memory_space<hbm>>, %arg4: memref<8192x32xf32, #tpu.memory_space<hbm>>, %arg5: memref<8192x32xf32, #tpu.memory_space<hbm>>, %arg6: memref<32x16xf32, #tpu.memory_space<hbm>>, %arg7: memref<2x128xi32, #tpu.memory_space<vmem>>, %arg8: memref<256x32xf32, #tpu.memory_space<vmem>>, %arg9: memref<256x32xf32, #tpu.memory_space<vmem>>, %arg10: memref<16xf32, #tpu.memory_space<vmem>>, %arg11: memref<!tpu.dma_semaphore, #tpu.memory_space<semaphore_mem>>) attributes {dimension_semantics = [#tpu.dimension_semantics<core_parallel>, #tpu.dimension_semantics<subcore_parallel>], iteration_bounds = array<i64: 2, 16>, scalar_prefetch = 0 : i64, scratch_operands = 5 : i64, tpu.core_type = #tpu.core_type<sc_vector_subcore>, window_params = [{transform_indices = #map}, {transform_indices = #map1}, {transform_indices = #map}, {transform_indices = #map}, {transform_indices = #map}]} {
    %mul3A = arith.constant 2 : i32
    %mul3A_0 = arith.muli %arg1, %mul3A : i32
    %add3A = arith.addi %mul3A_0, %arg0 : i32
    %mul3A_1 = arith.constant 256 : i32
    %mul3A_2 = arith.muli %add3A, %mul3A_1 : i32
    "tpu.region"() ({
      %run_scoped3A = tpu.sem_alloc : memref<!tpu.dma_semaphore, #tpu.memory_space<semaphore_mem>>
      %dma_start3A_50 = arith.constant 0 : i32
      %dma_start3A_51 = arith.constant 0 : i32
      %dma_start3A_52 = tpu.memref_slice %arg3[%add3A, %dma_start3A_50, %dma_start3A_51] : memref<32x2x128xi32, #tpu.memory_space<hbm>> -> memref<1x2x128xi32, #tpu.memory_space<hbm>>
      %dma_start3A_53 = tpu.memref_squeeze %dma_start3A_52 : memref<1x2x128xi32, #tpu.memory_space<hbm>> -> memref<2x128xi32, #tpu.memory_space<hbm>>
      %dma_start3A_54 = arith.constant 0 : i32
      %dma_start3A_55 = arith.constant 0 : i32
      %dma_start3A_56 = tpu.memref_slice %arg3[%add3A, %dma_start3A_54, %dma_start3A_55] : memref<32x2x128xi32, #tpu.memory_space<hbm>> -> memref<1x2x128xi32, #tpu.memory_space<hbm>>
      %dma_start3A_57 = tpu.memref_squeeze %dma_start3A_56 : memref<1x2x128xi32, #tpu.memory_space<hbm>> -> memref<2x128xi32, #tpu.memory_space<hbm>>
      tpu.enqueue_dma source(%dma_start3A_57 : memref<2x128xi32, #tpu.memory_space<hbm>>) target(%arg7 : memref<2x128xi32, #tpu.memory_space<vmem>>) target_semaphore(%run_scoped3A : memref<!tpu.dma_semaphore, #tpu.memory_space<semaphore_mem>>)
      %dma_wait3A_58 = arith.constant 0 : i32
      %dma_wait3A_59 = arith.constant 0 : i32
      %dma_wait3A_60 = tpu.memref_slice %arg3[%add3A, %dma_wait3A_58, %dma_wait3A_59] : memref<32x2x128xi32, #tpu.memory_space<hbm>> -> memref<1x2x128xi32, #tpu.memory_space<hbm>>
      %dma_wait3A_61 = tpu.memref_squeeze %dma_wait3A_60 : memref<1x2x128xi32, #tpu.memory_space<hbm>> -> memref<2x128xi32, #tpu.memory_space<hbm>>
      %dma_wait3A_62 = arith.constant 0 : i32
      %dma_wait3A_63 = arith.constant 0 : i32
      %dma_wait3A_64 = tpu.memref_slice %arg3[%add3A, %dma_wait3A_62, %dma_wait3A_63] : memref<32x2x128xi32, #tpu.memory_space<hbm>> -> memref<1x2x128xi32, #tpu.memory_space<hbm>>
      %dma_wait3A_65 = tpu.memref_squeeze %dma_wait3A_64 : memref<1x2x128xi32, #tpu.memory_space<hbm>> -> memref<2x128xi32, #tpu.memory_space<hbm>>
      tpu.wait_dma2 semaphore(%run_scoped3A : memref<!tpu.dma_semaphore, #tpu.memory_space<semaphore_mem>>) src(%dma_wait3A_65 : memref<2x128xi32, #tpu.memory_space<hbm>>) dst(%arg7 : memref<2x128xi32, #tpu.memory_space<vmem>>)
      tpu.yield
    }) : () -> ()
    "tpu.region"() ({
      %run_scoped3A = tpu.sem_alloc : memref<!tpu.dma_semaphore, #tpu.memory_space<semaphore_mem>>
      %dma_start3A_50 = arith.constant 0 : i32
      %dma_start3A_51 = tpu.memref_slice %arg4[%mul3A_2, %dma_start3A_50] : memref<8192x32xf32, #tpu.memory_space<hbm>> -> memref<256x32xf32, #tpu.memory_space<hbm>>
      %dma_start3A_52 = arith.constant 0 : i32
      %dma_start3A_53 = tpu.memref_slice %arg4[%mul3A_2, %dma_start3A_52] : memref<8192x32xf32, #tpu.memory_space<hbm>> -> memref<256x32xf32, #tpu.memory_space<hbm>>
      tpu.enqueue_dma source(%dma_start3A_53 : memref<256x32xf32, #tpu.memory_space<hbm>>) target(%arg9 : memref<256x32xf32, #tpu.memory_space<vmem>>) target_semaphore(%run_scoped3A : memref<!tpu.dma_semaphore, #tpu.memory_space<semaphore_mem>>)
      %dma_wait3A_54 = arith.constant 0 : i32
      %dma_wait3A_55 = tpu.memref_slice %arg4[%mul3A_2, %dma_wait3A_54] : memref<8192x32xf32, #tpu.memory_space<hbm>> -> memref<256x32xf32, #tpu.memory_space<hbm>>
      %dma_wait3A_56 = arith.constant 0 : i32
      %dma_wait3A_57 = tpu.memref_slice %arg4[%mul3A_2, %dma_wait3A_56] : memref<8192x32xf32, #tpu.memory_space<hbm>> -> memref<256x32xf32, #tpu.memory_space<hbm>>
      tpu.wait_dma2 semaphore(%run_scoped3A : memref<!tpu.dma_semaphore, #tpu.memory_space<semaphore_mem>>) src(%dma_wait3A_57 : memref<256x32xf32, #tpu.memory_space<hbm>>) dst(%arg9 : memref<256x32xf32, #tpu.memory_space<vmem>>)
      tpu.yield
    }) : () -> ()
    %dma_start3A = arith.constant 0 : i32
    %dma_start3A_3 = arith.constant 0 : i32
    %dma_start3A_4 = arith.constant 0 : i32
    %dma_start3A_5 = tpu.memref_slice %arg8[%dma_start3A_3, %dma_start3A_4] : memref<256x32xf32, #tpu.memory_space<vmem>> -> memref<128x32xf32, #tpu.memory_space<vmem>>
    %dma_start3A_6 = arith.constant 0 : i32
    %dma_start3A_7 = tpu.memref_slice %arg7[%dma_start3A, %dma_start3A_6] : memref<2x128xi32, #tpu.memory_space<vmem>> -> memref<1x128xi32, #tpu.memory_space<vmem>>
    %dma_start3A_8 = tpu.memref_squeeze %dma_start3A_7 : memref<1x128xi32, #tpu.memory_space<vmem>> -> memref<128xi32, #tpu.memory_space<vmem>>
    %dma_start3A_9 = arith.constant 0 : i32
    %dma_start3A_10 = arith.constant 0 : i32
    %dma_start3A_11 = tpu.memref_slice %arg2[%dma_start3A_9, %dma_start3A_10] : memref<8192x32xf32, #tpu.memory_space<hbm>> -> memref<8192x32xf32, #tpu.memory_space<hbm>>
    tpu.enqueue_indirect_dma source(%dma_start3A_11 : memref<8192x32xf32, #tpu.memory_space<hbm>>) target(%dma_start3A_5 : memref<128x32xf32, #tpu.memory_space<vmem>>) offsets(%dma_start3A_8 : memref<128xi32, #tpu.memory_space<vmem>>) semaphore(%arg11 : memref<!tpu.dma_semaphore, #tpu.memory_space<semaphore_mem>>)
    %dma_start3A_12 = arith.constant 1 : i32
    %dma_start3A_13 = arith.constant 128 : i32
    %dma_start3A_14 = arith.constant 0 : i32
    %dma_start3A_15 = tpu.memref_slice %arg8[%dma_start3A_13, %dma_start3A_14] : memref<256x32xf32, #tpu.memory_space<vmem>> -> memref<128x32xf32, #tpu.memory_space<vmem>>
    %dma_start3A_16 = arith.constant 0 : i32
    %dma_start3A_17 = tpu.memref_slice %arg7[%dma_start3A_12, %dma_start3A_16] : memref<2x128xi32, #tpu.memory_space<vmem>> -> memref<1x128xi32, #tpu.memory_space<vmem>>
    %dma_start3A_18 = tpu.memref_squeeze %dma_start3A_17 : memref<1x128xi32, #tpu.memory_space<vmem>> -> memref<128xi32, #tpu.memory_space<vmem>>
    %dma_start3A_19 = arith.constant 0 : i32
    %dma_start3A_20 = arith.constant 0 : i32
    %dma_start3A_21 = tpu.memref_slice %arg2[%dma_start3A_19, %dma_start3A_20] : memref<8192x32xf32, #tpu.memory_space<hbm>> -> memref<8192x32xf32, #tpu.memory_space<hbm>>
    tpu.enqueue_indirect_dma source(%dma_start3A_21 : memref<8192x32xf32, #tpu.memory_space<hbm>>) target(%dma_start3A_15 : memref<128x32xf32, #tpu.memory_space<vmem>>) offsets(%dma_start3A_18 : memref<128xi32, #tpu.memory_space<vmem>>) semaphore(%arg11 : memref<!tpu.dma_semaphore, #tpu.memory_space<semaphore_mem>>)
    %dma_wait3A = arith.constant 0 : i32
    %dma_wait3A_22 = arith.constant 0 : i32
    %dma_wait3A_23 = arith.constant 0 : i32
    %dma_wait3A_24 = tpu.memref_slice %arg8[%dma_wait3A_22, %dma_wait3A_23] : memref<256x32xf32, #tpu.memory_space<vmem>> -> memref<128x32xf32, #tpu.memory_space<vmem>>
    %dma_wait3A_25 = arith.constant 0 : i32
    %dma_wait3A_26 = tpu.memref_slice %arg7[%dma_wait3A, %dma_wait3A_25] : memref<2x128xi32, #tpu.memory_space<vmem>> -> memref<1x128xi32, #tpu.memory_space<vmem>>
    %dma_wait3A_27 = tpu.memref_squeeze %dma_wait3A_26 : memref<1x128xi32, #tpu.memory_space<vmem>> -> memref<128xi32, #tpu.memory_space<vmem>>
    %dma_wait3A_28 = arith.constant 0 : i32
    %dma_wait3A_29 = arith.constant 0 : i32
    %dma_wait3A_30 = tpu.memref_slice %arg2[%dma_wait3A_28, %dma_wait3A_29] : memref<8192x32xf32, #tpu.memory_space<hbm>> -> memref<8192x32xf32, #tpu.memory_space<hbm>>
    tpu.wait_indirect_dma semaphore(%arg11 : memref<!tpu.dma_semaphore, #tpu.memory_space<semaphore_mem>>) src(%dma_wait3A_30 : memref<8192x32xf32, #tpu.memory_space<hbm>>) dst(%dma_wait3A_24 : memref<128x32xf32, #tpu.memory_space<vmem>>)
    %dma_wait3A_31 = arith.constant 1 : i32
    %dma_wait3A_32 = arith.constant 128 : i32
    %dma_wait3A_33 = arith.constant 0 : i32
    %dma_wait3A_34 = tpu.memref_slice %arg8[%dma_wait3A_32, %dma_wait3A_33] : memref<256x32xf32, #tpu.memory_space<vmem>> -> memref<128x32xf32, #tpu.memory_space<vmem>>
    %dma_wait3A_35 = arith.constant 0 : i32
    %dma_wait3A_36 = tpu.memref_slice %arg7[%dma_wait3A_31, %dma_wait3A_35] : memref<2x128xi32, #tpu.memory_space<vmem>> -> memref<1x128xi32, #tpu.memory_space<vmem>>
    %dma_wait3A_37 = tpu.memref_squeeze %dma_wait3A_36 : memref<1x128xi32, #tpu.memory_space<vmem>> -> memref<128xi32, #tpu.memory_space<vmem>>
    %dma_wait3A_38 = arith.constant 0 : i32
    %dma_wait3A_39 = arith.constant 0 : i32
    %dma_wait3A_40 = tpu.memref_slice %arg2[%dma_wait3A_38, %dma_wait3A_39] : memref<8192x32xf32, #tpu.memory_space<hbm>> -> memref<8192x32xf32, #tpu.memory_space<hbm>>
    tpu.wait_indirect_dma semaphore(%arg11 : memref<!tpu.dma_semaphore, #tpu.memory_space<semaphore_mem>>) src(%dma_wait3A_40 : memref<8192x32xf32, #tpu.memory_space<hbm>>) dst(%dma_wait3A_34 : memref<128x32xf32, #tpu.memory_space<vmem>>)
    "tpu.region"() ({
      %run_scoped3A = tpu.sem_alloc : memref<!tpu.dma_semaphore, #tpu.memory_space<semaphore_mem>>
      %dma_start3A_50 = arith.constant 0 : i32
      %dma_start3A_51 = tpu.memref_slice %arg5[%mul3A_2, %dma_start3A_50] : memref<8192x32xf32, #tpu.memory_space<hbm>> -> memref<256x32xf32, #tpu.memory_space<hbm>>
      %dma_start3A_52 = arith.constant 0 : i32
      %dma_start3A_53 = tpu.memref_slice %arg5[%mul3A_2, %dma_start3A_52] : memref<8192x32xf32, #tpu.memory_space<hbm>> -> memref<256x32xf32, #tpu.memory_space<hbm>>
      tpu.enqueue_dma source(%arg8 : memref<256x32xf32, #tpu.memory_space<vmem>>) target(%dma_start3A_53 : memref<256x32xf32, #tpu.memory_space<hbm>>) target_semaphore(%run_scoped3A : memref<!tpu.dma_semaphore, #tpu.memory_space<semaphore_mem>>)
      %dma_wait3A_54 = arith.constant 0 : i32
      %dma_wait3A_55 = tpu.memref_slice %arg5[%mul3A_2, %dma_wait3A_54] : memref<8192x32xf32, #tpu.memory_space<hbm>> -> memref<256x32xf32, #tpu.memory_space<hbm>>
      %dma_wait3A_56 = arith.constant 0 : i32
      %dma_wait3A_57 = tpu.memref_slice %arg5[%mul3A_2, %dma_wait3A_56] : memref<8192x32xf32, #tpu.memory_space<hbm>> -> memref<256x32xf32, #tpu.memory_space<hbm>>
      tpu.wait_dma2 semaphore(%run_scoped3A : memref<!tpu.dma_semaphore, #tpu.memory_space<semaphore_mem>>) src(%arg8 : memref<256x32xf32, #tpu.memory_space<vmem>>) dst(%dma_wait3A_57 : memref<256x32xf32, #tpu.memory_space<hbm>>)
      tpu.yield
    }) : () -> ()
    %broadcast_in_dim3A = arith.constant 0.000000e+00 : f32
    %broadcast_in_dim3A_41 = vector.broadcast %broadcast_in_dim3A : f32 to vector<16xf32>
    %scan3A = arith.constant 0 : i32
    %scan3A_42 = arith.constant 256 : i32
    %scan3A_43 = arith.addi %scan3A, %scan3A_42 : i32
    %scan3A_44 = arith.constant 1 : i32
    %scan3A_45 = scf.for %scan3A_50 = %scan3A to %scan3A_43 step %scan3A_44 iter_args(%scan3A_51 = %broadcast_in_dim3A_41) -> (vector<16xf32>)  : i32 {
      %get3A = arith.index_cast %scan3A_50 : i32 to index
      %get3A_52 = arith.constant 0 : index
      %get3A_53 = tpu.vector_load %arg8[%get3A, %get3A_52] {strides = array<i32>} : memref<256x32xf32, #tpu.memory_space<vmem>>, vector<1x16xf32>,
      %get3A_54 = vector.shape_cast %get3A_53 : vector<1x16xf32> to vector<16xf32>
      %get3A_55 = arith.index_cast %scan3A_50 : i32 to index
      %get3A_56 = arith.constant 0 : index
      %get3A_57 = tpu.vector_load %arg9[%get3A_55, %get3A_56] {strides = array<i32>} : memref<256x32xf32, #tpu.memory_space<vmem>>, vector<1x16xf32>,
      %get3A_58 = vector.shape_cast %get3A_57 : vector<1x16xf32> to vector<16xf32>
      %sub3A = arith.subf %get3A_54, %get3A_58 : vector<16xf32>
      %mul3A_59 = arith.mulf %sub3A, %sub3A : vector<16xf32>
      %add3A_60 = arith.addf %scan3A_51, %mul3A_59 : vector<16xf32>
      %get3A_61 = arith.index_cast %scan3A_50 : i32 to index
      %get3A_62 = arith.constant 16 : index
      %get3A_63 = tpu.vector_load %arg8[%get3A_61, %get3A_62] {strides = array<i32>} : memref<256x32xf32, #tpu.memory_space<vmem>>, vector<1x16xf32>,
      %get3A_64 = vector.shape_cast %get3A_63 : vector<1x16xf32> to vector<16xf32>
      %get3A_65 = arith.index_cast %scan3A_50 : i32 to index
      %get3A_66 = arith.constant 16 : index
      %get3A_67 = tpu.vector_load %arg9[%get3A_65, %get3A_66] {strides = array<i32>} : memref<256x32xf32, #tpu.memory_space<vmem>>, vector<1x16xf32>,
      %get3A_68 = vector.shape_cast %get3A_67 : vector<1x16xf32> to vector<16xf32>
      %sub3A_69 = arith.subf %get3A_64, %get3A_68 : vector<16xf32>
      %mul3A_70 = arith.mulf %sub3A_69, %sub3A_69 : vector<16xf32>
      %add3A_71 = arith.addf %add3A_60, %mul3A_70 : vector<16xf32>
      scf.yield %add3A_71 : vector<16xf32>
    }
    %scan3A_46 = arith.constant 256 : i32
    %swap3A = arith.constant 0 : index
    %swap3A_47 = tpu.vector_load %arg10[%swap3A] {strides = array<i32>} : memref<16xf32, #tpu.memory_space<vmem>>, vector<16xf32>,
    %swap3A_48 = vector.shape_cast %swap3A_47 : vector<16xf32> to vector<16xf32>
    %swap3A_49 = vector.shape_cast %scan3A_45 : vector<16xf32> to vector<16xf32>
    tpu.vector_store %arg10[%swap3A], %swap3A_49 {strides = array<i32>} : memref<16xf32, #tpu.memory_space<vmem>>, vector<16xf32>,
    "tpu.region"() ({
      %run_scoped3A = tpu.sem_alloc : memref<!tpu.dma_semaphore, #tpu.memory_space<semaphore_mem>>
      %dma_start3A_50 = arith.constant 0 : i32
      %dma_start3A_51 = tpu.memref_slice %arg6[%add3A, %dma_start3A_50] : memref<32x16xf32, #tpu.memory_space<hbm>> -> memref<1x16xf32, #tpu.memory_space<hbm>>
      %dma_start3A_52 = tpu.memref_squeeze %dma_start3A_51 : memref<1x16xf32, #tpu.memory_space<hbm>> -> memref<16xf32, #tpu.memory_space<hbm>>
      %dma_start3A_53 = arith.constant 0 : i32
      %dma_start3A_54 = tpu.memref_slice %arg6[%add3A, %dma_start3A_53] : memref<32x16xf32, #tpu.memory_space<hbm>> -> memref<1x16xf32, #tpu.memory_space<hbm>>
      %dma_start3A_55 = tpu.memref_squeeze %dma_start3A_54 : memref<1x16xf32, #tpu.memory_space<hbm>> -> memref<16xf32, #tpu.memory_space<hbm>>
      tpu.enqueue_dma source(%arg10 : memref<16xf32, #tpu.memory_space<vmem>>) target(%dma_start3A_55 : memref<16xf32, #tpu.memory_space<hbm>>) target_semaphore(%run_scoped3A : memref<!tpu.dma_semaphore, #tpu.memory_space<semaphore_mem>>)
      %dma_wait3A_56 = arith.constant 0 : i32
      %dma_wait3A_57 = tpu.memref_slice %arg6[%add3A, %dma_wait3A_56] : memref<32x16xf32, #tpu.memory_space<hbm>> -> memref<1x16xf32, #tpu.memory_space<hbm>>
      %dma_wait3A_58 = tpu.memref_squeeze %dma_wait3A_57 : memref<1x16xf32, #tpu.memory_space<hbm>> -> memref<16xf32, #tpu.memory_space<hbm>>
      %dma_wait3A_59 = arith.constant 0 : i32
      %dma_wait3A_60 = tpu.memref_slice %arg6[%add3A, %dma_wait3A_59] : memref<32x16xf32, #tpu.memory_space<hbm>> -> memref<1x16xf32, #tpu.memory_space<hbm>>
      %dma_wait3A_61 = tpu.memref_squeeze %dma_wait3A_60 : memref<1x16xf32, #tpu.memory_space<hbm>> -> memref<16xf32, #tpu.memory_space<hbm>>
      tpu.wait_dma2 semaphore(%run_scoped3A : memref<!tpu.dma_semaphore, #tpu.memory_space<semaphore_mem>>) src(%arg10 : memref<16xf32, #tpu.memory_space<vmem>>) dst(%dma_wait3A_61 : memref<16xf32, #tpu.memory_space<hbm>>)
      tpu.yield
    }) : () -> ()
    return
  }
}

module attributes {stable_mosaic.version = 14 : i64} {
  func.func @_argmin_body(%arg0: i32, %arg1: memref<2048x32xf32, #tpu.memory_space<vmem>>, %arg2: memref<32x8192xf32, #tpu.memory_space<vmem>>, %arg3: memref<2048x1xf32, #tpu.memory_space<vmem>>, %arg4: memref<1x8192xf32, #tpu.memory_space<vmem>>, %arg5: memref<1x2048x1xi32, #tpu.memory_space<vmem>>) attributes {dimension_semantics = [#tpu.dimension_semantics<arbitrary>], iteration_bounds = array<i64: 4>, scalar_prefetch = 0 : i64, scratch_operands = 0 : i64, tpu.core_type = #tpu.core_type<tc>, window_params = [{transform_indices = @transform_0, window_bounds = array<i64: 2048, 32>}, {pipeline_mode = #tpu.pipeline_mode<synchronous>, transform_indices = @transform_1, window_bounds = array<i64: 32, 8192>}, {transform_indices = @transform_2, window_bounds = array<i64: 2048, 1>}, {pipeline_mode = #tpu.pipeline_mode<synchronous>, transform_indices = @transform_3, window_bounds = array<i64: 1, 8192>}, {transform_indices = @transform_4, window_bounds = array<i64: 1, 2048, 1>}]} {
    %get3A = arith.constant 0 : index
    %get3A_0 = arith.constant 0 : index
    %get3A_1 = vector.load %arg1[%get3A, %get3A_0] : memref<2048x32xf32, #tpu.memory_space<vmem>>, vector<2048x32xf32>
    %convert_element_type3A = arith.truncf %get3A_1 : vector<2048x32xf32> to vector<2048x32xbf16>
    %get3A_2 = arith.constant 0 : index
    %get3A_3 = arith.constant 0 : index
    %get3A_4 = vector.load %arg3[%get3A_2, %get3A_3] : memref<2048x1xf32, #tpu.memory_space<vmem>>, vector<2048x1xf32>
    %broadcast_in_dim3A = arith.constant 0x7F800000 : f32
    %broadcast_in_dim3A_5 = vector.broadcast %broadcast_in_dim3A : f32 to vector<2048x1xf32>
    %broadcast_in_dim3A_6 = arith.constant 0 : i32
    %broadcast_in_dim3A_7 = vector.broadcast %broadcast_in_dim3A_6 : i32 to vector<2048x1xi32>
    %scan3A = arith.constant 0 : i32
    %scan3A_8 = arith.constant 4 : i32
    %scan3A_9 = arith.addi %scan3A, %scan3A_8 : i32
    %scan3A_10 = arith.constant 1 : i32
    %scan3A_11:2 = scf.for %scan3A_18 = %scan3A to %scan3A_9 step %scan3A_10 iter_args(%scan3A_19 = %broadcast_in_dim3A_5, %scan3A_20 = %broadcast_in_dim3A_7) -> (vector<2048x1xf32>, vector<2048x1xi32>)  : i32 {
      %mul3A = arith.constant 2048 : i32
      %mul3A_21 = arith.muli %scan3A_18, %mul3A : i32
      %get3A_22 = arith.constant 0 : index
      %get3A_23 = arith.index_cast %mul3A_21 : i32 to index
      %get3A_24 = vector.load %arg2[%get3A_22, %get3A_23] : memref<32x8192xf32, #tpu.memory_space<vmem>>, vector<32x2048xf32>
      %convert_element_type3A_25 = arith.truncf %get3A_24 : vector<32x2048xf32> to vector<32x2048xbf16>
      %mul3A_26 = arith.constant 2048 : i32
      %mul3A_27 = arith.muli %scan3A_18, %mul3A_26 : i32
      %get3A_28 = arith.constant 0 : index
      %get3A_29 = arith.index_cast %mul3A_27 : i32 to index
      %get3A_30 = vector.load %arg4[%get3A_28, %get3A_29] : memref<1x8192xf32, #tpu.memory_space<vmem>>, vector<1x2048xf32>
      %dot_general3A = arith.constant dense<0.000000e+00> : vector<2048x2048xf32>
      %dot_general3A_31 = tpu.matmul %convert_element_type3A, %convert_element_type3A_25, %dot_general3A {dimension_numbers = #tpu.dot_dimension_numbers<[1], [0], [0], [1], [0, 0, 1, 1], [], []>, transpose_lhs_hint = false} : vector<2048x32xbf16>, vector<32x2048xbf16>, vector<2048x2048xf32> -> vector<2048x2048xf32>
      %add3A = vector.broadcast %get3A_4 : vector<2048x1xf32> to vector<2048x2048xf32>
      %add3A_32 = vector.broadcast %get3A_30 : vector<1x2048xf32> to vector<2048x2048xf32>
      %add3A_33 = arith.addf %add3A, %add3A_32 : vector<2048x2048xf32>
      %mul3A_34 = arith.constant 2.000000e+00 : f32
      %mul3A_35 = vector.broadcast %mul3A_34 : f32 to vector<2048x2048xf32>
      %mul3A_36 = arith.mulf %mul3A_35, %dot_general3A_31 : vector<2048x2048xf32>
      %sub3A = arith.subf %add3A_33, %mul3A_36 : vector<2048x2048xf32>
      %reduce_min3A = arith.constant dense<0x7F800000> : vector<2048xf32>
      %reduce_min3A_37 = vector.multi_reduction <minimumf>, %sub3A, %reduce_min3A [1] : vector<2048x2048xf32> to vector<2048xf32>
      %broadcast_in_dim3A_38 = vector.shape_cast %reduce_min3A_37 : vector<2048xf32> to vector<2048x1xf32>
      %iota3A = tpu.iota {dimensions = array<i32: 1>} : vector<2048x2048xi32>
      %eq3A = vector.broadcast %broadcast_in_dim3A_38 : vector<2048x1xf32> to vector<2048x2048xf32>
      %eq3A_39 = arith.cmpf oeq, %sub3A, %eq3A : vector<2048x2048xf32>
      %jit3A = arith.constant 8192 : i32
      %broadcast_in_dim3A_40 = vector.broadcast %jit3A : i32 to vector<2048x2048xi32>
      %select_n3A = arith.select %eq3A_39, %iota3A, %broadcast_in_dim3A_40 : vector<2048x2048xi1>, vector<2048x2048xi32>
      %reduce_min3A_41 = arith.constant dense<2147483647> : vector<2048xi32>
      %reduce_min3A_42 = vector.multi_reduction <minsi>, %select_n3A, %reduce_min3A_41 [1] : vector<2048x2048xi32> to vector<2048xi32>
      %broadcast_in_dim3A_43 = vector.shape_cast %reduce_min3A_42 : vector<2048xi32> to vector<2048x1xi32>
      %mul3A_44 = arith.constant 2048 : i32
      %mul3A_45 = arith.muli %scan3A_18, %mul3A_44 : i32
      %add3A_46 = vector.broadcast %mul3A_45 : i32 to vector<2048x1xi32>
      %add3A_47 = arith.addi %broadcast_in_dim3A_43, %add3A_46 : vector<2048x1xi32>
      %convert_element_type3A_48 = arith.truncf %scan3A_19 : vector<2048x1xf32> to vector<2048x1xbf16>
      %convert_element_type3A_49 = arith.extf %convert_element_type3A_48 : vector<2048x1xbf16> to vector<2048x1xf32>
      %lt3A = arith.cmpf olt, %broadcast_in_dim3A_38, %convert_element_type3A_49 : vector<2048x1xf32>
      %select_n3A_50 = arith.select %lt3A, %broadcast_in_dim3A_38, %convert_element_type3A_49 : vector<2048x1xi1>, vector<2048x1xf32>
      %select_n3A_51 = arith.select %lt3A, %add3A_47, %scan3A_20 : vector<2048x1xi1>, vector<2048x1xi32>
      scf.yield %select_n3A_50, %select_n3A_51 : vector<2048x1xf32>, vector<2048x1xi32>
    }
    %scan3A_12 = arith.constant 4 : i32
    %swap3A = arith.constant 0 : index
    %swap3A_13 = arith.constant 0 : index
    %swap3A_14 = arith.constant 0 : index
    %swap3A_15 = vector.load %arg5[%swap3A, %swap3A_13, %swap3A_14] : memref<1x2048x1xi32, #tpu.memory_space<vmem>>, vector<1x2048x1xi32>
    %swap3A_16 = vector.shape_cast %swap3A_15 : vector<1x2048x1xi32> to vector<2048x1xi32>
    %swap3A_17 = vector.shape_cast %scan3A_11#1 : vector<2048x1xi32> to vector<1x2048x1xi32>
    tpu.vector_store %arg5[%swap3A, %swap3A_13, %swap3A_14], %swap3A_17 {strides = array<i32>} : memref<1x2048x1xi32, #tpu.memory_space<vmem>>, vector<1x2048x1xi32>,
    return
  }
  func.func @transform_0(%arg0: i32) -> (i32, i32) {
    %c0_i32 = arith.constant 0 : i32
    %c0_i32_0 = arith.constant 0 : i32
    return %arg0, %c0_i32 : i32, i32
  }
  func.func @transform_1(%arg0: i32) -> (i32, i32) {
    %c0_i32 = arith.constant 0 : i32
    %c0_i32_0 = arith.constant 0 : i32
    %c0_i32_1 = arith.constant 0 : i32
    return %c0_i32, %c0_i32_0 : i32, i32
  }
  func.func @transform_2(%arg0: i32) -> (i32, i32) {
    %c0_i32 = arith.constant 0 : i32
    %c0_i32_0 = arith.constant 0 : i32
    return %arg0, %c0_i32 : i32, i32
  }
  func.func @transform_3(%arg0: i32) -> (i32, i32) {
    %c0_i32 = arith.constant 0 : i32
    %c0_i32_0 = arith.constant 0 : i32
    %c0_i32_1 = arith.constant 0 : i32
    return %c0_i32, %c0_i32_0 : i32, i32
  }
  func.func @transform_4(%arg0: i32) -> (i32, i32, i32) {
    %c0_i32 = arith.constant 0 : i32
    %c0_i32_0 = arith.constant 0 : i32
    %c0_i32_1 = arith.constant 0 : i32
    return %arg0, %c0_i32, %c0_i32_0 : i32, i32, i32
  }
}

</mosaic_0001>

<sc_bundles>
// kernel: kernel.4.cloned.1.call-start
scs
__scs_entry_jumppad:
0x0: {  	(pc) =	sbr.rel $0x88, $3  }
0x1: {  	(tag) =	ssettag $0x0;
	lr =	simm.s32 $0x1  }
0x2: {  	[smem:$0x3F9E] =	sst lr;
	_ =	strace $0xD0000000  }
0x3: {  	_ = 	snop  }
0x4: {  	_ = 	snop  }
0x5: {  	_ = 	snop  }
0x6: {  	_ = 	snop  }
0x7: {  	_ = 	snop  }
__scs_overlays_trampoline_lowered:
0x8: {  	[smem:$0x3FAD] =	sst s0  }
0x9: {  	[smem:$0x3FAE] =	sst s1  }
0xa: {  	[smem:$0x3FAF] =	sst s2  }
0xb: {  	[smem:$0x3FB0] =	sst s3  }
0xc: {  	[smem:$0x3FB1] =	sst s4  }
0xd: {  	[smem:$0x3FB2] =	sst s5  }
0xe: {  	[smem:$0x3FB3] =	sst s6  }
0xf: {  	[smem:$0x3FB4] =	sst s7  }
0x10: {  	[smem:$0x3FB5] =	sst s8  }
0x11: {  	[smem:$0x3FB6] =	sst s9;
	s0 =	simm.s32 @!p0 $0x0  }
0x12: {  	s1 =	sld [smem:$0x3F9C];
	s0 =	simm.s32 @p0 $0x1  }
0x13: {  	[smem:$0x3FB7] =	sst s0;
	s0 =	simm.s32 @!p1 $0x0  }
0x14: {  	s2 =	sld [smem:$0x3F9B];
	s0 =	simm.s32 @p1 $0x1  }
0x15: {  	[smem:$0x3FB8] =	sst s0;
	s0 =	simm.s32 @!p2 $0x0  }
0x16: {  	s3 =	sld [smem:$0x3FDB];
	s0 =	simm.s32 @p2 $0x1  }
0x17: {  	s4 =	simm.s32 $0x1BF5;
	[smem:$0x3FBA] =	sst s0  }
0x18: {  	s0 =	sld [smem:$0x3F9D];
	_ =	swait.ge [sflag:s4], $0x0  }
0x19: {  	s7 =	sld [smem:$0x3F9E]  }
0x1a: {  	s8 =	sadd.s32 $0xFFFFE003, lr  }
0x1b: {  	s9 =	sadd.s32 $0xFFFFFEF7, lr;
	s5 =	simm.s32 $0xFFFFFFFF;
	p2 =	slt.u32 s8, $0xFFFFF086  }
0x1c: {  	p1 =	slt.u32 s9, $0xF7A;
	s5 =	simm.s32 @!p2 $0x0  }
0x1d: {  	s5 =	simm.s32 @p1 $0x1;
	p0 =	seq.s32 s7, s2  }
0x1e: {  	s7 =	smul.u32 @!p0 $0xF7A, s2;
	p2 =	seq.s32 @!p0 s5, $0x0  }
0x1f: {  	s9 =	smul.u32 $0xF7A, s1;
	s8 =	simm.s32 @!p0 $0x1BF5;
	p2 =	por !p2, p0  }
0x20: {  	[sflag:s8] =	ssyncset.s32 @!p0 $0xFFFFF086;
	s6 =	sadd.s32 @!p0 s3, s7;
	s7 =	simm.s32 @!p0 $0x108  }
0x21: {  	s3 =	sadd.s32 s3, s9;
	s6 =	sadd.s32 @!p0 $0x88, s6;
	s7 =	simm.s32 @p2 $0x1082  }
0x22: {  	[simem:s7], [sflag:s8] =	dma.local @!p0 [hbm:s6], $0xF7A  }
0x23: {  	s9 =	sor.u32 $0xD0000000, s2;
	s6 =	simm.s32 $0x108;
	_ =	swait.ge @!p0 [sflag:s8], $0x0  }
0x24: {  	s3 =	sadd.s32 $0x88, s3;
	s6 =	simm.s32 @!p1 $0x1082;
	[sflag:s4] =	ssyncset.s32 $0xFFFFF086  }
0x25: {  	[simem:s6], [sflag:s4] =	dma.local [hbm:s3], $0xF7A  }
0x26: {  	[smem:$0x3F9E] =	sst s1;
	(tag) =	ssettag s2;
	_ =	strace s9  }
0x27: {  	s1 =	sld [smem:$0x3FAE]  }
0x28: {  	s2 =	sld [smem:$0x3FAF]  }
0x29: {  	s4 =	sld [smem:$0x3FB1]  }
0x2a: {  	p0 =	seq.s32 s5, $0x0;
	s5 =	sld [smem:$0x3FB2]  }
0x2b: {  	s6 =	sld [smem:$0x3FB3]  }
0x2c: {  	s7 =	sld [smem:$0x3FB4]  }
0x2d: {  	s3 =	simm.s32 $0x108;
	s8 =	sld [smem:$0x3FB5]  }
0x2e: {  	s3 =	simm.s32 @!p0 $0x1082;
	s9 =	sld [smem:$0x3FB6]  }
0x2f: {  	lr =	sadd.s32 s0, s3;
	s0 =	sld [smem:$0x3FAD]  }
0x30: {  	s3 =	sld [smem:$0x3FB0]  }
0x31: {  	[smem:$0x3FB9] =	sst s10  }
0x32: {  	s10 =	sld [smem:$0x3FB7];
	_ =	sdelay $0x3  }
0x33: {  	p0 =	seq.s32 s10, $0x1;
	s10 =	sld [smem:$0x3FB9];
	_ =	sdelay $0x3  }
0x34: {  	[smem:$0x3FB9] =	sst s10  }
0x35: {  	s10 =	sld [smem:$0x3FB8];
	_ =	sdelay $0x3  }
0x36: {  	p1 =	seq.s32 s10, $0x1;
	s10 =	sld [smem:$0x3FB9];
	_ =	sdelay $0x3  }
0x37: {  	[smem:$0x3FB9] =	sst s10  }
0x38: {  	s10 =	sld [smem:$0x3FBA]  }
0x39: {  	_ = 	snop;
	(pc) =	sbr.ind lr, $3  }
0x3a: {  	_ = 	snop  }
0x3b: {  	_ = 	snop  }
0x3c: {  	p2 =	seq.s32 s10, $0x1;
	s10 =	sld [smem:$0x3FB9]  }
0x3d: {  	_ =	shalt  }
0x3e: {  	_ =	shalt  }
0x3f: {  	_ =	shalt  }
0x40: {  	_ =	shalt  }
0x41: {  	_ =	shalt  }
0x42: {  	_ =	shalt  }
0x43: {  	_ =	shalt  }
0x44: {  	_ =	shalt  }
0x45: {  	_ =	shalt  }
0x46: {  	_ =	shalt  }
0x47: {  	_ =	shalt  }
0x48: {  	_ =	shalt  }
0x49: {  	_ =	shalt  }
0x4a: {  	_ =	shalt  }
0x4b: {  	_ =	shalt  }
0x4c: {  	_ =	shalt  }
0x4d: {  	_ =	shalt  }
0x4e: {  	_ =	shalt  }
0x4f: {  	_ =	shalt  }
0x50: {  	_ =	shalt  }
0x51: {  	_ =	shalt  }
0x52: {  	_ =	shalt  }
0x53: {  	_ =	shalt  }
0x54: {  	_ =	shalt  }
0x55: {  	_ =	shalt  }
0x56: {  	_ =	shalt  }
0x57: {  	_ =	shalt  }
0x58: {  	_ =	shalt  }
0x59: {  	_ =	shalt  }
0x5a: {  	_ =	shalt  }
0x5b: {  	_ =	shalt  }
0x5c: {  	_ =	shalt  }
0x5d: {  	_ =	shalt  }
0x5e: {  	_ =	shalt  }
0x5f: {  	_ =	shalt  }
0x60: {  	_ =	shalt  }
0x61: {  	_ =	shalt  }
0x62: {  	_ =	shalt  }
0x63: {  	_ =	shalt  }
0x64: {  	_ =	shalt  }
0x65: {  	_ =	shalt  }
0x66: {  	_ =	shalt  }
0x67: {  	_ =	shalt  }
0x68: {  	_ =	shalt  }
0x69: {  	_ =	shalt  }
0x6a: {  	_ =	shalt  }
0x6b: {  	_ =	shalt  }
0x6c: {  	_ =	shalt  }
0x6d: {  	_ =	shalt  }
0x6e: {  	_ =	shalt  }
0x6f: {  	_ =	shalt  }
0x70: {  	_ =	shalt  }
0x71: {  	_ =	shalt  }
0x72: {  	_ =	shalt  }
0x73: {  	_ =	shalt  }
0x74: {  	_ =	shalt  }
0x75: {  	_ =	shalt  }
0x76: {  	_ =	shalt  }
0x77: {  	_ =	shalt  }
0x78: {  	_ =	shalt  }
0x79: {  	_ =	shalt  }
0x7a: {  	_ =	shalt  }
0x7b: {  	_ =	shalt  }
0x7c: {  	_ =	shalt  }
0x7d: {  	_ =	shalt  }
0x7e: {  	_ =	shalt  }
0x7f: {  	_ =	shalt  }
0x80: {  	_ =	shalt  }
0x81: {  	_ =	shalt  }
0x82: {  	_ =	shalt  }
0x83: {  	_ =	shalt  }
0x84: {  	_ =	shalt  }
0x85: {  	_ =	shalt  }
0x86: {  	_ =	shalt  }
0x87: {  	_ =	shalt  }
.Lfunc_end0:
.L_simem_size_0:
called_computation_lowered:
.L_overlay_start_0:
0x88: {  	s2 =	sld [smem:$0x3FD9]  }
0x89: {  	s3 =	sld [smem:$0x3FFE];
	_ =	sdelay $0x1  }
0x8a: {  	s1 =	srdreg.scid  }
0x8b: {  	s0 =	sand.u32 $0x1, s1  }
0x8c: {  	s14 =	sshll.u32 s0, $0xA;
	s2 =	sadd.s32 s3, s2  }
0x8d: {  	s2 =	sadd.s32 s2, s14  }
0x8e: {  	[smem:$0x3FC5] =	sst s2  }
0x8f: {  	_ = 	snop  }
0x90: {  	s2 =	sld [smem:$0x3FD0];
	_ =	sdelay $0x2  }
0x91: {  	s15 =	simm.s32 $0xA;
	s4 =	simm.s32 $0x10  }
0x92: {  	[smem:s4], [sflag:s15] =	dma.local [hbm:s2], $0x1  }
0x93: {  	_ =	swait.eq [sflag:s15], $0x1  }
0x94: {  	[sflag:s15] =	ssyncset.done $0x0  }
0x95: {  	[sflag:s15] =	ssyncadd.s32 $0xFFFFFFFF  }
0x96: {  	s16 =	sld [smem:$0x10];
	(tm) =	ssettm $0x1  }
0x97: {  	s17 =	sld [smem:$0x3FFB];
	_ =	sdelay $0x3  }
0x98: {  	_ =	strace s17  }
0x99: {  	s3 =	sld [smem:$0x3FFC];
	_ =	sdelay $0x3  }
0x9a: {  	_ =	strace s3  }
0x9b: {  	s3 =	sld [smem:$0x3FFD];
	_ =	sdelay $0x3  }
0x9c: {  	_ =	strace s3  }
0x9d: {  	_ =	strace $0x8FFFFFFF  }
0x9e: {  	s18 =	sld [smem:$0x3FDB];
	_ =	sdelay $0x1  }
0x9f: {  	s19 =	simm.s32 $_scs_section_size  }
0xa0: {  	s5 =	simm.s32 $_size__tile_overlayer_lowered;
	s6 =	simm.s32 $_tile_overlayer_lowered  }
0xa1: {  	s22 =	simm.s32 $0x1BFF;
	s21 =	sshll.u32 s6, $0x1;
	s3 =	sadd.s32 s19, s18  }
0xa2: {  	s7 =	simm.s32 $0x0;
	s20 =	sshll.u32 s5, $0x1;
	s5 =	sadd.s32 s21, s3  }
0xa3: {  	[timem:s7], [sflag:s22] =	dma.local [hbm:s5], s20  }
0xa4: {  	_ =	swait.ge [sflag:s22], s20  }
0xa5: {  	s4 =	ssub.s32 $0x0, s20;
	[sflag:s22] =	ssyncset.done $0x0  }
0xa6: {  	[sflag:s22] =	ssyncadd.s32 s4;
	_ =	sdelay $0x1  }
0xa7: {  	s23 =	simm.s32 $0x1B8B  }
0xa8: {  	_ =	swait.ge [sflag:s23], $0x1  }
0xa9: {  	[sflag:s23] =	ssyncset.done $0x0  }
0xaa: {  	s25 =	simm.s32 $0x1B8E;
	s24 =	sld [smem:$0x3FFE];
	[sflag:s23] =	ssyncadd.s32 $0xFFFFFFFF  }
0xab: {  	s26 =	simm.s32 $execute0_lowered;
	[smem:$0x3FD2] =	sst s25  }
0xac: {  	s5 =	sshll.u32 s26, $0x1;
	_ =	strace $0x80000046;
	[dreg:$0x1] =	wrdreg $0xFFFFFFFF  }
0xad: {  	s28 =	simm.s32 $_size_execute0_lowered;
	s3 =	sadd.s32 s3, s5;
	[dreg:$0x0] =	wrdreg $0x0  }
0xae: {  	s5 =	sshll.u32 s28, $0x1;
	[dreg:$0x2] =	wrdreg s3  }
0xaf: {  	[dreg:$0x3] =	wrdreg s5  }
0xb0: {  	[dreg:$0x4] =	wrdreg $0xC0  }
0xb1: {  	_ =	task [dreg:s7], $0x5FFFF  }
0xb2: {  	[dreg:$0x1] =	wrdreg $0xFFFFFFFF  }
0xb3: {  	[dreg:$0x0] =	wrdreg $0x60  }
0xb4: {  	[dreg:$0x2] =	wrdreg s16  }
0xb5: {  	[dreg:$0x3] =	wrdreg s24  }
0xb6: {  	[dreg:$0x4] =	wrdreg $0x9  }
0xb7: {  	_ =	task.clear_ibuf [dreg:s7], $0x5FFFF;
	_ =	strace $0x90000046  }
0xb8: {  	s29 =	simm.s32 $0x9;
	_ =	strace $0x80000048  }
0xb9: {  	_ =	swait.ge [sflag:s29], $0x1  }
0xba: {  	[sflag:s29] =	ssyncadd.s32 $0xFFFFFFFF  }
0xbb: {  	_ =	strace $0x90000048  }
0xbc: {  	_ =	sfence  }
0xbd: {  	s30 =	sld [smem:$0x0];
	_ =	sdelay $0x2  }
0xbe: {  	s31 =	sshll.u32 s1, $0xD;
	s1 =	sshrl.u32 s1, $0x2  }
0xbf: {  	s3 =	sand.u32 $0x4000, s31;
	s1 =	sadd.s32 s1, s30  }
0xc0: {  	s0 =	sor.u32 s3, s0;
	s1 =	sshll.u32 s1, $0x11  }
0xc1: {  	s0 =	sor.u32 s1, s0  }
0xc2: {  	s0 =	sadd.s32 $0x8F2B, s0  }
0xc3: {  	[sflag:s0] =	ssyncadd.remote.s32 $0x1  }
0xc4: {  	_ =	sfence.sel $0xFFFF  }
0xc5: {  	[dreg:$0x0] =	wrdreg $0xFFFFFFFF;
	(pc) =	sbr.abs _section_cstart, $3  }
0xc6: {  	[dreg:$0x1] =	wrdreg $0xFFFFFFFF  }
0xc7: {  	_ =	task.clear_ibuf [dreg:s7], $0x2FFFF;
	_ =	strace $0x9FFFFFFF  }
0xc8: {  	(tm) =	ssettm $0x7FFFFFFF  }
0xc9: {  	_ =	shalt  }
tec
execute0_lowered:
.L_overlay_start_1:
0x0: {  	(tag) =	ssettag $0x1  }
0x1: {  	s2 =	rddreg [dreg:$0x0];
	s1 =	srdreg.scid  }
0x2: {  	s0 =	stileid.u32;
	s4 =	rddreg [dreg:$0x1];
	s3 =	simm.s32 $0x0  }
0x3: {  	s10 =	simm.s32 $0x2100;
	s11 =	simm.s32 $0x80;
	s12 =	simm.s32 $0x100  }
0x4: {  	s13 =	simm.s32 $0x1100;
	s14 =	simm.s32 $0x1;
	s15 =	simm.s32 $0x4100  }
0x5: {  	s5 =	sand.u32 $0x1, s1;
	s6 =	sshll.u32 s0, $0x1;
	s1 =	rddreg [dreg:$0x2]  }
0x6: {  	s16 =	simm.s32 $0x0;
	[smem:$0x7FF] =	sst s3;
	s6 =	sor.u32 s5, s6  }
0x7: {  	_ =	strace $0x80000047;
	s5 =	ssub.s32 $0x2, s5;
	s7 =	sshll.u32 s6, $0x5  }
0x8: {  	s8 =	sshll.u32 s6, $0x1;
	s9 =	sshrl.u32 s5, $0x1;
	s6 =	sshll.u32 s6, $0xA  }
0x9: {  	s7 =	sadd.s32 s7, s4;
	s8 =	sadd.s32 s8, s4;
	s4 =	sadd.s32 s4, s6  }
0xa: {  	s9 =	ssub.s32 s5, s9;
	s5 =	sadd.s32 $0x8000, s7;
	s6 =	sadd.s32 $0x8400, s4  }
0xb: {  	s7 =	sadd.s32 $0x10400, s8;
	s8 =	smax.u32 s9, $0x1;
	s9 =	simm.s32 $0x2  }
.LBB2_1:
0xc: {  	[tilespmem:s3], [sflag:$0x2] =	stream.linear.gather [hbm4b:s5+s3], $0x100, $0x38;
	[tilespmem:$0x4110] =	vst v63  }
0xd: {  	_ =	swait.ge [sflag:s9], $0x100  }
0xe: {  	[sflag:s9] =	ssyncset.done $0x0  }
0xf: {  	[sflag:s9] =	ssyncadd.s32 $0xFFFFFF00  }
0x10: {  	[tilespmem:s10], [sflag:$0x2] =	stream.linear.gather [hbm4b:s4+s3], $0x2000, $0x38;
	[tilespmem:$0x4110] =	vst v63  }
0x11: {  	_ =	swait.ge [sflag:s9], $0x2000  }
0x12: {  	[sflag:s9] =	ssyncset.done $0x0  }
0x13: {  	[sflag:s9] =	ssyncadd.s32 $0xFFFFE000  }
0x14: {  	[tilespmem:s12], [sflag:$0x1] =	stream.indirect.gather [hbm4b:s2+s11], $0x20, s3, s11, $0xb8;
	[tilespmem:$0x4110] =	vst v63  }
0x15: {  	_ = 	snop  }
0x16: {  	[tilespmem:s13], [sflag:$0x1] =	stream.indirect.gather [hbm4b:s2+s11], $0x20, s11, s11, $0xb8;
	[tilespmem:$0x4110] =	vst v63  }
0x17: {  	_ =	swait.ge [sflag:s14], $0x1000  }
0x18: {  	[sflag:s14] =	ssyncset.done $0x0  }
0x19: {  	[sflag:s14] =	ssyncadd.s32 $0xFFFFF000  }
0x1a: {  	_ =	swait.ge [sflag:s14], $0x1000  }
0x1b: {  	[sflag:s14] =	ssyncset.done $0x0  }
0x1c: {  	[sflag:s14] =	ssyncadd.s32 $0xFFFFF000  }
0x1d: {  	[hbm4b:s6+s3] =	stream.linear.scatter [tilespmem:s12], [sflag:$0x2], $0x2000, $0x38;
	[tilespmem:$0x4110] =	vst v63  }
0x1e: {  	_ =	swait.ge [sflag:s9], $0x2000  }
0x1f: {  	[sflag:s9] =	ssyncset.done $0x0  }
0x20: {  	s17 =	simm.s32 $0x0;
	[sflag:s9] =	ssyncadd.s32 $0xFFFFE000  }
0x21: {  	v0 =	vld [tilespmem:s17+$0x100]  }
0x22: {  	v1 =	vld [tilespmem:s17+$0x2100]  }
0x23: {  	v3 =	vld [tilespmem:s17+$0x110]  }
0x24: {  	v4 =	vld [tilespmem:s17+$0x2110];
	_ =	sdelay $0x1  }
0x25: {  	s18 =	simm.s32 $0x20  }
0x26: {  	v2 =	vld [tilespmem:s18+$0x2100];
	v1 =	vsub.f32 v0, v1  }
0x27: {  	v0 =	vld [tilespmem:s18+$0x100]  }
0x28: {  	v6 =	vsub.f32 v3, v4;
	v3 =	vld [tilespmem:s18+$0x2110];
	v5 =	vmul.f32 v1, v1  }
0x29: {  	v4 =	vimm.f32 $0.0e+00;
	v1 =	vld [tilespmem:s18+$0x110]  }
0x2a: {  	s17 =	simm.s32 $0x100;
	v4 =	vadd.f32 v5, v4;
	v5 =	vmul.f32 v6, v6  }
.LBB2_2:
0x2b: {  	s18 =	sshra.s32 s17, $0x2;
	p0 =	sne.s32 s17, $0x7F80  }
.Ltmp0:
0x2c: {  	s17 =	sadd.s32 $0x80, s17;
	v6 =	vsub.f32 v0, v2;
	v0 =	vld [tilespmem:s18+$0x100];
	v4 =	vadd.f32 v5, v4;
	(pc) =	sbr.rel @p0 .LBB2_2-.Ltmp0, $4  }
0x2d: {  	v2 =	vld [tilespmem:s18+$0x2100]  }
0x2e: {  	v5 =	vmul.f32 v6, v6;
	v6 =	vsub.f32 v1, v3;
	v1 =	vld [tilespmem:s18+$0x110]  }
0x2f: {  	v3 =	vld [tilespmem:s18+$0x2110]  }
0x30: {  	v4 =	vadd.f32 v5, v4;
	v5 =	vmul.f32 v6, v6  }
0x31: {  	_ = 	snop  }
0x32: {  	v0 =	vsub.f32 v0, v2;
	_ =	sdelay $0x1  }
0x33: {  	v63 =	vadd.f32 v5, v4;
	v0 =	vmul.f32 v0, v0;
	v1 =	vsub.f32 v1, v3;
	_ =	sdelay $0x1  }
0x34: {  	v0 =	vadd.f32 v0, v63;
	v1 =	vmul.f32 v1, v1;
	_ =	sdelay $0x1  }
0x35: {  	s16 =	sadd.s32 $0x1, s16;
	v0 =	vadd.f32 v1, v0  }
0x36: {  	p0 =	sne.s32 s16, s8  }
.Ltmp1:
0x37: {  	[tilespmem:$0x4100] =	vst v0;
	(pc) =	sbr.rel @p0 .LBB2_1-.Ltmp1, $4  }
0x38: {  	[hbm4b:s7+s3] =	stream.linear.scatter [tilespmem:s15], [sflag:$0x2], $0x10, $0x38;
	[tilespmem:$0x4110] =	vst v63  }
0x39: {  	_ =	swait.ge [sflag:s9], $0x10  }
0x3a: {  	[sflag:s9] =	ssyncset.done $0x0  }
0x3b: {  	[sflag:s9] =	ssyncadd.s32 $0xFFFFFFF0  }
0x3c: {  	_ =	sfence.sel $0x180000  }
0x3d: {  	[bflag:$0x0] =	sbarrier.arrive $0xFFFF  }
0x3e: {  	p0 =	sne.s32 s0, $0x0;
	_ =	strace $0x90000047  }
0x3f: {  	s0 =	sadd.s32 @!p0 $0x100000, s1;
	[bflag:$0x2] =	sbarrier.arrive $0xFFFF  }
0x40: {  	[sflag:s0] =	ssyncadd.tile.s32 @!p0 $0x1;
	_ =	shalt  }
.Lfunc_end2:
_tile_overlayer_lowered:
.L_overlay_start_2:
0x41: {  	(tag) =	ssettag $0x2  }
0x42: {  	s0 =	rddreg [dreg:$0x0];
	s2 =	stileid.u32  }
0x43: {  	s1 =	rddreg [dreg:$0x1];
	p0 =	sne.s32 s2, $0x0  }
0x44: {  	s3 =	rddreg [dreg:$0x2];
	[bflag:$0x3] =	sbarrier.arrive $0xFFFF;
	s2 =	simm.s32 @!p0 $0x1C02  }
0x45: {  	[timem:s3], [sflag:s2] =	dma.local @!p0 [hbm:s0], s1  }
0x46: {  	s0 =	simm.s32 @!p0 $0x2  }
0x47: {  	_ =	swait.ge @!p0 [sflag:s0], s1  }
0x48: {  	s1 =	ssub.s32 @!p0 $0x0, s1;
	[sflag:s0] =	ssyncset.done @!p0 $0x0  }
0x49: {  	[sflag:s0] =	ssyncadd.s32 @!p0 s1  }
0x4a: {  	[bflag:$0x3] =	sbarrier.arrive $0xFFFF  }
0x4b: {  	_ =	shalt  }

</sc_bundles>
